<compile_context>
chip_gen: v7x
topology: tpu7x:2x2x1
jax: 0.10.2.dev20260603
libtpu: 0.0.44.dev20260713+nightly
codegen_flags: <defaults>
</compile_context>

<pallas_src>
import functools

import jax
import jax.numpy as jnp
from jax import lax
from jax.experimental import pallas as pl
from jax.experimental.pallas import tpu as pltpu
from jax.experimental.pallas import tpu_sc as plsc

_N_CLASSES = 1000
_LANES = 16
_ZCHUNK = 2_048_000


def _zero_body(o_ref):
    o_ref[...] = jnp.zeros((_ZCHUNK,), jnp.float32)


@functools.cache
def _make_zero_fill(out_words):
    assert out_words % _ZCHUNK == 0
    return pl.pallas_call(
        _zero_body,
        grid=(out_words // _ZCHUNK,),
        out_specs=pl.BlockSpec((_ZCHUNK,), lambda i: (i,)),
        out_shape=jax.ShapeDtypeStruct((out_words,), jnp.float32),
    )


@functools.cache
def _make_scatter(n_rows, n_classes, seq_len):
    info = plsc.get_sparse_core_info()
    nc, ns = info.num_cores, info.num_subcores
    rows_per_w = n_rows // (nc * ns)
    l_per_sc = seq_len // nc
    b_per_tile = n_rows // seq_len // ns
    magic = (1 << 17) // l_per_sc + 1
    assert all((i * magic) >> 17 == i // l_per_sc for i in range(rows_per_w))
    assert rows_per_w % _LANES == 0
    mesh = plsc.VectorSubcoreMesh(core_axis_name="c", subcore_axis_name="s")

    @functools.partial(
        pl.kernel,
        out_type=(),
        mesh=mesh,
        scratch_types=[
            pltpu.VMEM((b_per_tile, seq_len), jnp.int32),
            pltpu.VMEM((rows_per_w,), jnp.int32),
            pltpu.VMEM((rows_per_w,), jnp.float32),
            pltpu.SemaphoreType.DMA,
        ],
        compiler_params=pltpu.CompilerParams(needs_layout_passes=False),
    )
    def k(x_hbm, out_hbm, x_v, idx_v, ones_v, ssem):
        c = lax.axis_index("c")
        s = lax.axis_index("s")

        ones16 = jnp.ones((_LANES,), jnp.float32)
        iota16 = lax.iota(jnp.int32, _LANES)

        l0 = c * l_per_sc
        b0 = s * b_per_tile
        pltpu.sync_copy(x_hbm.at[pl.ds(b0, b_per_tile)], x_v)

        def idx_body(i, carry):
            flat = i * _LANES + iota16
            bloc = (flat * magic) >> 17
            lloc = flat - bloc * l_per_sc
            b = b0 + bloc
            l = l0 + lloc
            cls = plsc.load_gather(x_v, [bloc, l])
            off = (l * (n_classes * 1024)
                   + (cls >> 3) * 8192
                   + (b >> 7) * 1024
                   + (cls & 7) * 128
                   + (b & 127))
            idx_v[pl.ds(i * _LANES, _LANES)] = off
            ones_v[pl.ds(i * _LANES, _LANES)] = ones16
            return carry

        lax.fori_loop(0, rows_per_w // _LANES, idx_body, 0, unroll=4)

        pltpu.async_copy(ones_v, out_hbm.at[idx_v], ssem).wait()

    return k


def kernel(x):
    b, l = x.shape
    n_rows = b * l
    out_words = n_rows * _N_CLASSES
    buf = jax.new_ref(_make_zero_fill(out_words)())
    _make_scatter(n_rows, _N_CLASSES, l)(x.astype(jnp.int32), buf)
    out1d = buf[...]
    out5 = out1d.reshape(l, _N_CLASSES // 8, b // 128, 8, 128)
    outt = jnp.transpose(out5, (2, 4, 0, 1, 3))
    return outt.reshape(b, l, _N_CLASSES)

# --- scband reference (transcript-rebuilt; emitter-appended) ---
"""Pipeline reference for scband-one-hot-vector-encoding-17884243821254 (READ-ONLY COPY).

The authoritative reference and input builder live on the scoring server;
editing this copy changes nothing except your own understanding.
"""

import jax, jax.numpy as jnp
import numpy as np

NUM_CLASS = 1000
B = 1024
L = 50

def setup_inputs(seed: int = 0) -> dict:
    key = jax.random.key(seed)
    x = jax.random.randint(key, (B, L), 0, NUM_CLASS, dtype=jnp.int64 if jax.config.jax_enable_x64 else jnp.int32)
    return {"x": x}

def reference(x) -> jnp.ndarray:
    batch_size, sentence_length = x.shape
    # Faithful translation: start from zeros and scatter-overwrite 1.0 at the
    # class index for every (i, j) position (vectorized instead of the python loop).
    one_hot_encoding = jnp.zeros((batch_size, sentence_length, NUM_CLASS), dtype=jnp.float32)
    bi = jnp.arange(batch_size)[:, None]
    sj = jnp.arange(sentence_length)[None, :]
    one_hot_encoding = one_hot_encoding.at[bi, sj, x].set(1.0)
    return one_hot_encoding

if __name__ == "__main__":
    import jax
    _d = setup_inputs()
    print(jax.jit(kernel)(*tuple(_d.values())))

</pallas_src>

<mosaic_0001>
#map = affine_map<(d0, d1) -> (0, 0)>
#map1 = affine_map<(d0, d1) -> (0)>
module attributes {stable_mosaic.version = 14 : i64} {
  func.func @new_body(%arg0: i32, %arg1: i32, %arg2: memref<1024x50xi32, #tpu.memory_space<hbm>>, %arg3: memref<51200000xf32, #tpu.memory_space<hbm>>, %arg4: memref<51200000xf32, #tpu.memory_space<hbm>>, %arg5: memref<64x50xi32, #tpu.memory_space<vmem>>, %arg6: memref<1600xi32, #tpu.memory_space<vmem>>, %arg7: memref<1600xf32, #tpu.memory_space<vmem>>, %arg8: memref<!tpu.dma_semaphore, #tpu.memory_space<semaphore_mem>>) attributes {dimension_semantics = [#tpu.dimension_semantics<core_parallel>, #tpu.dimension_semantics<subcore_parallel>], iteration_bounds = array<i64: 2, 16>, scalar_prefetch = 0 : i64, scratch_operands = 4 : i64, tpu.core_type = #tpu.core_type<sc_vector_subcore>, window_params = [{transform_indices = #map}, {transform_indices = #map1}, {transform_indices = #map1}]} {
    %broadcast_in_dim3A = arith.constant 1.000000e+00 : f32
    %broadcast_in_dim3A_0 = vector.broadcast %broadcast_in_dim3A : f32 to vector<16xf32>
    %iota3A = tpu.iota {dimensions = array<i32: 0>} : vector<16xi32>
    %mul3A = arith.constant 25 : i32
    %mul3A_1 = arith.muli %arg0, %mul3A : i32
    %mul3A_2 = arith.constant 64 : i32
    %mul3A_3 = arith.muli %arg1, %mul3A_2 : i32
    "tpu.region"() ({
      %run_scoped3A = tpu.sem_alloc : memref<!tpu.dma_semaphore, #tpu.memory_space<semaphore_mem>>
      %dma_start3A_11 = arith.constant 0 : i32
      %dma_start3A_12 = tpu.memref_slice %arg2[%mul3A_3, %dma_start3A_11] : memref<1024x50xi32, #tpu.memory_space<hbm>> -> memref<64x50xi32, #tpu.memory_space<hbm>>
      %dma_start3A_13 = arith.constant 0 : i32
      %dma_start3A_14 = tpu.memref_slice %arg2[%mul3A_3, %dma_start3A_13] : memref<1024x50xi32, #tpu.memory_space<hbm>> -> memref<64x50xi32, #tpu.memory_space<hbm>>
      tpu.enqueue_dma source(%dma_start3A_14 : memref<64x50xi32, #tpu.memory_space<hbm>>) target(%arg5 : memref<64x50xi32, #tpu.memory_space<vmem>>) target_semaphore(%run_scoped3A : memref<!tpu.dma_semaphore, #tpu.memory_space<semaphore_mem>>)
      %dma_wait3A_15 = arith.constant 0 : i32
      %dma_wait3A_16 = tpu.memref_slice %arg2[%mul3A_3, %dma_wait3A_15] : memref<1024x50xi32, #tpu.memory_space<hbm>> -> memref<64x50xi32, #tpu.memory_space<hbm>>
      %dma_wait3A_17 = arith.constant 0 : i32
      %dma_wait3A_18 = tpu.memref_slice %arg2[%mul3A_3, %dma_wait3A_17] : memref<1024x50xi32, #tpu.memory_space<hbm>> -> memref<64x50xi32, #tpu.memory_space<hbm>>
      tpu.wait_dma2 semaphore(%run_scoped3A : memref<!tpu.dma_semaphore, #tpu.memory_space<semaphore_mem>>) src(%dma_wait3A_18 : memref<64x50xi32, #tpu.memory_space<hbm>>) dst(%arg5 : memref<64x50xi32, #tpu.memory_space<vmem>>)
      tpu.yield
    }) : () -> ()
    %scan3A = arith.constant 0 : i32
    %scan3A_4 = arith.constant 0 : i32
    %scan3A_5 = arith.constant 100 : i32
    %scan3A_6 = arith.addi %scan3A_4, %scan3A_5 : i32
    %scan3A_7 = arith.constant 4 : i32
    scf.for %scan3A_11 = %scan3A_4 to %scan3A_6 step %scan3A_7  : i32 {
      %mul3A_12 = arith.constant 16 : i32
      %mul3A_13 = arith.muli %scan3A_11, %mul3A_12 : i32
      %add3A = vector.broadcast %mul3A_13 : i32 to vector<16xi32>
      %add3A_14 = arith.addi %add3A, %iota3A : vector<16xi32>
      %mul3A_15 = arith.constant 5243 : i32
      %mul3A_16 = vector.broadcast %mul3A_15 : i32 to vector<16xi32>
      %mul3A_17 = arith.muli %add3A_14, %mul3A_16 : vector<16xi32>
      %shift_right_arithmetic3A = arith.constant 17 : i32
      %shift_right_arithmetic3A_18 = vector.broadcast %shift_right_arithmetic3A : i32 to vector<16xi32>
      %shift_right_arithmetic3A_19 = arith.shrsi %mul3A_17, %shift_right_arithmetic3A_18 : vector<16xi32>
      %mul3A_20 = arith.constant 25 : i32
      %mul3A_21 = vector.broadcast %mul3A_20 : i32 to vector<16xi32>
      %mul3A_22 = arith.muli %shift_right_arithmetic3A_19, %mul3A_21 : vector<16xi32>
      %sub3A = arith.subi %add3A_14, %mul3A_22 : vector<16xi32>
      %add3A_23 = vector.broadcast %mul3A_3 : i32 to vector<16xi32>
      %add3A_24 = arith.addi %add3A_23, %shift_right_arithmetic3A_19 : vector<16xi32>
      %add3A_25 = vector.broadcast %mul3A_1 : i32 to vector<16xi32>
      %add3A_26 = arith.addi %add3A_25, %sub3A : vector<16xi32>
      %gather3A = tpu.vector_load_idx %arg5[%shift_right_arithmetic3A_19, %add3A_26] : memref<64x50xi32, #tpu.memory_space<vmem>>[vector<16xi32>, vector<16xi32>], vector<16xi32>,
      %mul3A_27 = arith.constant 1024000 : i32
      %mul3A_28 = vector.broadcast %mul3A_27 : i32 to vector<16xi32>
      %mul3A_29 = arith.muli %add3A_26, %mul3A_28 : vector<16xi32>
      %shift_right_arithmetic3A_30 = arith.constant 3 : i32
      %shift_right_arithmetic3A_31 = vector.broadcast %shift_right_arithmetic3A_30 : i32 to vector<16xi32>
      %shift_right_arithmetic3A_32 = arith.shrsi %gather3A, %shift_right_arithmetic3A_31 : vector<16xi32>
      %mul3A_33 = arith.constant 8192 : i32
      %mul3A_34 = vector.broadcast %mul3A_33 : i32 to vector<16xi32>
      %mul3A_35 = arith.muli %shift_right_arithmetic3A_32, %mul3A_34 : vector<16xi32>
      %add3A_36 = arith.addi %mul3A_29, %mul3A_35 : vector<16xi32>
      %shift_right_arithmetic3A_37 = arith.constant 7 : i32
      %shift_right_arithmetic3A_38 = vector.broadcast %shift_right_arithmetic3A_37 : i32 to vector<16xi32>
      %shift_right_arithmetic3A_39 = arith.shrsi %add3A_24, %shift_right_arithmetic3A_38 : vector<16xi32>
      %mul3A_40 = arith.constant 1024 : i32
      %mul3A_41 = vector.broadcast %mul3A_40 : i32 to vector<16xi32>
      %mul3A_42 = arith.muli %shift_right_arithmetic3A_39, %mul3A_41 : vector<16xi32>
      %add3A_43 = arith.addi %add3A_36, %mul3A_42 : vector<16xi32>
      %and3A = arith.constant 7 : i32
      %and3A_44 = vector.broadcast %and3A : i32 to vector<16xi32>
      %and3A_45 = arith.andi %gather3A, %and3A_44 : vector<16xi32>
      %mul3A_46 = arith.constant 128 : i32
      %mul3A_47 = vector.broadcast %mul3A_46 : i32 to vector<16xi32>
      %mul3A_48 = arith.muli %and3A_45, %mul3A_47 : vector<16xi32>
      %add3A_49 = arith.addi %add3A_43, %mul3A_48 : vector<16xi32>
      %and3A_50 = arith.constant 127 : i32
      %and3A_51 = vector.broadcast %and3A_50 : i32 to vector<16xi32>
      %and3A_52 = arith.andi %add3A_24, %and3A_51 : vector<16xi32>
      %add3A_53 = arith.addi %add3A_49, %and3A_52 : vector<16xi32>
      %mul3A_54 = arith.constant 16 : i32
      %mul3A_55 = arith.muli %scan3A_11, %mul3A_54 : i32
      %swap3A = arith.index_cast %mul3A_55 : i32 to index
      %swap3A_56 = tpu.vector_load %arg6[%swap3A] {strides = array<i32>} : memref<1600xi32, #tpu.memory_space<vmem>>, vector<16xi32>,
      tpu.vector_store %arg6[%swap3A], %add3A_53 {strides = array<i32>} : memref<1600xi32, #tpu.memory_space<vmem>>, vector<16xi32>,
      %mul3A_57 = arith.constant 16 : i32
      %mul3A_58 = arith.muli %scan3A_11, %mul3A_57 : i32
      %swap3A_59 = arith.index_cast %mul3A_58 : i32 to index
      %swap3A_60 = tpu.vector_load %arg7[%swap3A_59] {strides = array<i32>} : memref<1600xf32, #tpu.memory_space<vmem>>, vector<16xf32>,
      tpu.vector_store %arg7[%swap3A_59], %broadcast_in_dim3A_0 {strides = array<i32>} : memref<1600xf32, #tpu.memory_space<vmem>>, vector<16xf32>,
      %scan3A_61 = arith.constant 1 : i32
      %scan3A_62 = arith.addi %scan3A_11, %scan3A_61 : i32
      %mul3A_63 = arith.constant 16 : i32
      %mul3A_64 = arith.muli %scan3A_62, %mul3A_63 : i32
      %add3A_65 = vector.broadcast %mul3A_64 : i32 to vector<16xi32>
      %add3A_66 = arith.addi %add3A_65, %iota3A : vector<16xi32>
      %mul3A_67 = arith.constant 5243 : i32
      %mul3A_68 = vector.broadcast %mul3A_67 : i32 to vector<16xi32>
      %mul3A_69 = arith.muli %add3A_66, %mul3A_68 : vector<16xi32>
      %shift_right_arithmetic3A_70 = arith.constant 17 : i32
      %shift_right_arithmetic3A_71 = vector.broadcast %shift_right_arithmetic3A_70 : i32 to vector<16xi32>
      %shift_right_arithmetic3A_72 = arith.shrsi %mul3A_69, %shift_right_arithmetic3A_71 : vector<16xi32>
      %mul3A_73 = arith.constant 25 : i32
      %mul3A_74 = vector.broadcast %mul3A_73 : i32 to vector<16xi32>
      %mul3A_75 = arith.muli %shift_right_arithmetic3A_72, %mul3A_74 : vector<16xi32>
      %sub3A_76 = arith.subi %add3A_66, %mul3A_75 : vector<16xi32>
      %add3A_77 = vector.broadcast %mul3A_3 : i32 to vector<16xi32>
      %add3A_78 = arith.addi %add3A_77, %shift_right_arithmetic3A_72 : vector<16xi32>
      %add3A_79 = vector.broadcast %mul3A_1 : i32 to vector<16xi32>
      %add3A_80 = arith.addi %add3A_79, %sub3A_76 : vector<16xi32>
      %gather3A_81 = tpu.vector_load_idx %arg5[%shift_right_arithmetic3A_72, %add3A_80] : memref<64x50xi32, #tpu.memory_space<vmem>>[vector<16xi32>, vector<16xi32>], vector<16xi32>,
      %mul3A_82 = arith.constant 1024000 : i32
      %mul3A_83 = vector.broadcast %mul3A_82 : i32 to vector<16xi32>
      %mul3A_84 = arith.muli %add3A_80, %mul3A_83 : vector<16xi32>
      %shift_right_arithmetic3A_85 = arith.constant 3 : i32
      %shift_right_arithmetic3A_86 = vector.broadcast %shift_right_arithmetic3A_85 : i32 to vector<16xi32>
      %shift_right_arithmetic3A_87 = arith.shrsi %gather3A_81, %shift_right_arithmetic3A_86 : vector<16xi32>
      %mul3A_88 = arith.constant 8192 : i32
      %mul3A_89 = vector.broadcast %mul3A_88 : i32 to vector<16xi32>
      %mul3A_90 = arith.muli %shift_right_arithmetic3A_87, %mul3A_89 : vector<16xi32>
      %add3A_91 = arith.addi %mul3A_84, %mul3A_90 : vector<16xi32>
      %shift_right_arithmetic3A_92 = arith.constant 7 : i32
      %shift_right_arithmetic3A_93 = vector.broadcast %shift_right_arithmetic3A_92 : i32 to vector<16xi32>
      %shift_right_arithmetic3A_94 = arith.shrsi %add3A_78, %shift_right_arithmetic3A_93 : vector<16xi32>
      %mul3A_95 = arith.constant 1024 : i32
      %mul3A_96 = vector.broadcast %mul3A_95 : i32 to vector<16xi32>
      %mul3A_97 = arith.muli %shift_right_arithmetic3A_94, %mul3A_96 : vector<16xi32>
      %add3A_98 = arith.addi %add3A_91, %mul3A_97 : vector<16xi32>
      %and3A_99 = arith.constant 7 : i32
      %and3A_100 = vector.broadcast %and3A_99 : i32 to vector<16xi32>
      %and3A_101 = arith.andi %gather3A_81, %and3A_100 : vector<16xi32>
      %mul3A_102 = arith.constant 128 : i32
      %mul3A_103 = vector.broadcast %mul3A_102 : i32 to vector<16xi32>
      %mul3A_104 = arith.muli %and3A_101, %mul3A_103 : vector<16xi32>
      %add3A_105 = arith.addi %add3A_98, %mul3A_104 : vector<16xi32>
      %and3A_106 = arith.constant 127 : i32
      %and3A_107 = vector.broadcast %and3A_106 : i32 to vector<16xi32>
      %and3A_108 = arith.andi %add3A_78, %and3A_107 : vector<16xi32>
      %add3A_109 = arith.addi %add3A_105, %and3A_108 : vector<16xi32>
      %mul3A_110 = arith.constant 16 : i32
      %mul3A_111 = arith.muli %scan3A_62, %mul3A_110 : i32
      %swap3A_112 = arith.index_cast %mul3A_111 : i32 to index
      %swap3A_113 = tpu.vector_load %arg6[%swap3A_112] {strides = array<i32>} : memref<1600xi32, #tpu.memory_space<vmem>>, vector<16xi32>,
      tpu.vector_store %arg6[%swap3A_112], %add3A_109 {strides = array<i32>} : memref<1600xi32, #tpu.memory_space<vmem>>, vector<16xi32>,
      %mul3A_114 = arith.constant 16 : i32
      %mul3A_115 = arith.muli %scan3A_62, %mul3A_114 : i32
      %swap3A_116 = arith.index_cast %mul3A_115 : i32 to index
      %swap3A_117 = tpu.vector_load %arg7[%swap3A_116] {strides = array<i32>} : memref<1600xf32, #tpu.memory_space<vmem>>, vector<16xf32>,
      tpu.vector_store %arg7[%swap3A_116], %broadcast_in_dim3A_0 {strides = array<i32>} : memref<1600xf32, #tpu.memory_space<vmem>>, vector<16xf32>,
      %scan3A_118 = arith.constant 2 : i32
      %scan3A_119 = arith.addi %scan3A_11, %scan3A_118 : i32
      %mul3A_120 = arith.constant 16 : i32
      %mul3A_121 = arith.muli %scan3A_119, %mul3A_120 : i32
      %add3A_122 = vector.broadcast %mul3A_121 : i32 to vector<16xi32>
      %add3A_123 = arith.addi %add3A_122, %iota3A : vector<16xi32>
      %mul3A_124 = arith.constant 5243 : i32
      %mul3A_125 = vector.broadcast %mul3A_124 : i32 to vector<16xi32>
      %mul3A_126 = arith.muli %add3A_123, %mul3A_125 : vector<16xi32>
      %shift_right_arithmetic3A_127 = arith.constant 17 : i32
      %shift_right_arithmetic3A_128 = vector.broadcast %shift_right_arithmetic3A_127 : i32 to vector<16xi32>
      %shift_right_arithmetic3A_129 = arith.shrsi %mul3A_126, %shift_right_arithmetic3A_128 : vector<16xi32>
      %mul3A_130 = arith.constant 25 : i32
      %mul3A_131 = vector.broadcast %mul3A_130 : i32 to vector<16xi32>
      %mul3A_132 = arith.muli %shift_right_arithmetic3A_129, %mul3A_131 : vector<16xi32>
      %sub3A_133 = arith.subi %add3A_123, %mul3A_132 : vector<16xi32>
      %add3A_134 = vector.broadcast %mul3A_3 : i32 to vector<16xi32>
      %add3A_135 = arith.addi %add3A_134, %shift_right_arithmetic3A_129 : vector<16xi32>
      %add3A_136 = vector.broadcast %mul3A_1 : i32 to vector<16xi32>
      %add3A_137 = arith.addi %add3A_136, %sub3A_133 : vector<16xi32>
      %gather3A_138 = tpu.vector_load_idx %arg5[%shift_right_arithmetic3A_129, %add3A_137] : memref<64x50xi32, #tpu.memory_space<vmem>>[vector<16xi32>, vector<16xi32>], vector<16xi32>,
      %mul3A_139 = arith.constant 1024000 : i32
      %mul3A_140 = vector.broadcast %mul3A_139 : i32 to vector<16xi32>
      %mul3A_141 = arith.muli %add3A_137, %mul3A_140 : vector<16xi32>
      %shift_right_arithmetic3A_142 = arith.constant 3 : i32
      %shift_right_arithmetic3A_143 = vector.broadcast %shift_right_arithmetic3A_142 : i32 to vector<16xi32>
      %shift_right_arithmetic3A_144 = arith.shrsi %gather3A_138, %shift_right_arithmetic3A_143 : vector<16xi32>
      %mul3A_145 = arith.constant 8192 : i32
      %mul3A_146 = vector.broadcast %mul3A_145 : i32 to vector<16xi32>
      %mul3A_147 = arith.muli %shift_right_arithmetic3A_144, %mul3A_146 : vector<16xi32>
      %add3A_148 = arith.addi %mul3A_141, %mul3A_147 : vector<16xi32>
      %shift_right_arithmetic3A_149 = arith.constant 7 : i32
      %shift_right_arithmetic3A_150 = vector.broadcast %shift_right_arithmetic3A_149 : i32 to vector<16xi32>
      %shift_right_arithmetic3A_151 = arith.shrsi %add3A_135, %shift_right_arithmetic3A_150 : vector<16xi32>
      %mul3A_152 = arith.constant 1024 : i32
      %mul3A_153 = vector.broadcast %mul3A_152 : i32 to vector<16xi32>
      %mul3A_154 = arith.muli %shift_right_arithmetic3A_151, %mul3A_153 : vector<16xi32>
      %add3A_155 = arith.addi %add3A_148, %mul3A_154 : vector<16xi32>
      %and3A_156 = arith.constant 7 : i32
      %and3A_157 = vector.broadcast %and3A_156 : i32 to vector<16xi32>
      %and3A_158 = arith.andi %gather3A_138, %and3A_157 : vector<16xi32>
      %mul3A_159 = arith.constant 128 : i32
      %mul3A_160 = vector.broadcast %mul3A_159 : i32 to vector<16xi32>
      %mul3A_161 = arith.muli %and3A_158, %mul3A_160 : vector<16xi32>
      %add3A_162 = arith.addi %add3A_155, %mul3A_161 : vector<16xi32>
      %and3A_163 = arith.constant 127 : i32
      %and3A_164 = vector.broadcast %and3A_163 : i32 to vector<16xi32>
      %and3A_165 = arith.andi %add3A_135, %and3A_164 : vector<16xi32>
      %add3A_166 = arith.addi %add3A_162, %and3A_165 : vector<16xi32>
      %mul3A_167 = arith.constant 16 : i32
      %mul3A_168 = arith.muli %scan3A_119, %mul3A_167 : i32
      %swap3A_169 = arith.index_cast %mul3A_168 : i32 to index
      %swap3A_170 = tpu.vector_load %arg6[%swap3A_169] {strides = array<i32>} : memref<1600xi32, #tpu.memory_space<vmem>>, vector<16xi32>,
      tpu.vector_store %arg6[%swap3A_169], %add3A_166 {strides = array<i32>} : memref<1600xi32, #tpu.memory_space<vmem>>, vector<16xi32>,
      %mul3A_171 = arith.constant 16 : i32
      %mul3A_172 = arith.muli %scan3A_119, %mul3A_171 : i32
      %swap3A_173 = arith.index_cast %mul3A_172 : i32 to index
      %swap3A_174 = tpu.vector_load %arg7[%swap3A_173] {strides = array<i32>} : memref<1600xf32, #tpu.memory_space<vmem>>, vector<16xf32>,
      tpu.vector_store %arg7[%swap3A_173], %broadcast_in_dim3A_0 {strides = array<i32>} : memref<1600xf32, #tpu.memory_space<vmem>>, vector<16xf32>,
      %scan3A_175 = arith.constant 3 : i32
      %scan3A_176 = arith.addi %scan3A_11, %scan3A_175 : i32
      %mul3A_177 = arith.constant 16 : i32
      %mul3A_178 = arith.muli %scan3A_176, %mul3A_177 : i32
      %add3A_179 = vector.broadcast %mul3A_178 : i32 to vector<16xi32>
      %add3A_180 = arith.addi %add3A_179, %iota3A : vector<16xi32>
      %mul3A_181 = arith.constant 5243 : i32
      %mul3A_182 = vector.broadcast %mul3A_181 : i32 to vector<16xi32>
      %mul3A_183 = arith.muli %add3A_180, %mul3A_182 : vector<16xi32>
      %shift_right_arithmetic3A_184 = arith.constant 17 : i32
      %shift_right_arithmetic3A_185 = vector.broadcast %shift_right_arithmetic3A_184 : i32 to vector<16xi32>
      %shift_right_arithmetic3A_186 = arith.shrsi %mul3A_183, %shift_right_arithmetic3A_185 : vector<16xi32>
      %mul3A_187 = arith.constant 25 : i32
      %mul3A_188 = vector.broadcast %mul3A_187 : i32 to vector<16xi32>
      %mul3A_189 = arith.muli %shift_right_arithmetic3A_186, %mul3A_188 : vector<16xi32>
      %sub3A_190 = arith.subi %add3A_180, %mul3A_189 : vector<16xi32>
      %add3A_191 = vector.broadcast %mul3A_3 : i32 to vector<16xi32>
      %add3A_192 = arith.addi %add3A_191, %shift_right_arithmetic3A_186 : vector<16xi32>
      %add3A_193 = vector.broadcast %mul3A_1 : i32 to vector<16xi32>
      %add3A_194 = arith.addi %add3A_193, %sub3A_190 : vector<16xi32>
      %gather3A_195 = tpu.vector_load_idx %arg5[%shift_right_arithmetic3A_186, %add3A_194] : memref<64x50xi32, #tpu.memory_space<vmem>>[vector<16xi32>, vector<16xi32>], vector<16xi32>,
      %mul3A_196 = arith.constant 1024000 : i32
      %mul3A_197 = vector.broadcast %mul3A_196 : i32 to vector<16xi32>
      %mul3A_198 = arith.muli %add3A_194, %mul3A_197 : vector<16xi32>
      %shift_right_arithmetic3A_199 = arith.constant 3 : i32
      %shift_right_arithmetic3A_200 = vector.broadcast %shift_right_arithmetic3A_199 : i32 to vector<16xi32>
      %shift_right_arithmetic3A_201 = arith.shrsi %gather3A_195, %shift_right_arithmetic3A_200 : vector<16xi32>
      %mul3A_202 = arith.constant 8192 : i32
      %mul3A_203 = vector.broadcast %mul3A_202 : i32 to vector<16xi32>
      %mul3A_204 = arith.muli %shift_right_arithmetic3A_201, %mul3A_203 : vector<16xi32>
      %add3A_205 = arith.addi %mul3A_198, %mul3A_204 : vector<16xi32>
      %shift_right_arithmetic3A_206 = arith.constant 7 : i32
      %shift_right_arithmetic3A_207 = vector.broadcast %shift_right_arithmetic3A_206 : i32 to vector<16xi32>
      %shift_right_arithmetic3A_208 = arith.shrsi %add3A_192, %shift_right_arithmetic3A_207 : vector<16xi32>
      %mul3A_209 = arith.constant 1024 : i32
      %mul3A_210 = vector.broadcast %mul3A_209 : i32 to vector<16xi32>
      %mul3A_211 = arith.muli %shift_right_arithmetic3A_208, %mul3A_210 : vector<16xi32>
      %add3A_212 = arith.addi %add3A_205, %mul3A_211 : vector<16xi32>
      %and3A_213 = arith.constant 7 : i32
      %and3A_214 = vector.broadcast %and3A_213 : i32 to vector<16xi32>
      %and3A_215 = arith.andi %gather3A_195, %and3A_214 : vector<16xi32>
      %mul3A_216 = arith.constant 128 : i32
      %mul3A_217 = vector.broadcast %mul3A_216 : i32 to vector<16xi32>
      %mul3A_218 = arith.muli %and3A_215, %mul3A_217 : vector<16xi32>
      %add3A_219 = arith.addi %add3A_212, %mul3A_218 : vector<16xi32>
      %and3A_220 = arith.constant 127 : i32
      %and3A_221 = vector.broadcast %and3A_220 : i32 to vector<16xi32>
      %and3A_222 = arith.andi %add3A_192, %and3A_221 : vector<16xi32>
      %add3A_223 = arith.addi %add3A_219, %and3A_222 : vector<16xi32>
      %mul3A_224 = arith.constant 16 : i32
      %mul3A_225 = arith.muli %scan3A_176, %mul3A_224 : i32
      %swap3A_226 = arith.index_cast %mul3A_225 : i32 to index
      %swap3A_227 = tpu.vector_load %arg6[%swap3A_226] {strides = array<i32>} : memref<1600xi32, #tpu.memory_space<vmem>>, vector<16xi32>,
      tpu.vector_store %arg6[%swap3A_226], %add3A_223 {strides = array<i32>} : memref<1600xi32, #tpu.memory_space<vmem>>, vector<16xi32>,
      %mul3A_228 = arith.constant 16 : i32
      %mul3A_229 = arith.muli %scan3A_176, %mul3A_228 : i32
      %swap3A_230 = arith.index_cast %mul3A_229 : i32 to index
      %swap3A_231 = tpu.vector_load %arg7[%swap3A_230] {strides = array<i32>} : memref<1600xf32, #tpu.memory_space<vmem>>, vector<16xf32>,
      tpu.vector_store %arg7[%swap3A_230], %broadcast_in_dim3A_0 {strides = array<i32>} : memref<1600xf32, #tpu.memory_space<vmem>>, vector<16xf32>,
    }
    %scan3A_8 = arith.constant 100 : i32
    %dma_start3A = arith.constant 0 : i32
    %dma_start3A_9 = tpu.memref_slice %arg3[%dma_start3A] : memref<51200000xf32, #tpu.memory_space<hbm>> -> memref<51200000xf32, #tpu.memory_space<hbm>>
    tpu.enqueue_indirect_dma source(%arg7 : memref<1600xf32, #tpu.memory_space<vmem>>) target(%dma_start3A_9 : memref<51200000xf32, #tpu.memory_space<hbm>>) offsets(%arg6 : memref<1600xi32, #tpu.memory_space<vmem>>) semaphore(%arg8 : memref<!tpu.dma_semaphore, #tpu.memory_space<semaphore_mem>>)
    %dma_wait3A = arith.constant 0 : i32
    %dma_wait3A_10 = tpu.memref_slice %arg3[%dma_wait3A] : memref<51200000xf32, #tpu.memory_space<hbm>> -> memref<51200000xf32, #tpu.memory_space<hbm>>
    tpu.wait_indirect_dma semaphore(%arg8 : memref<!tpu.dma_semaphore, #tpu.memory_space<semaphore_mem>>) src(%arg7 : memref<1600xf32, #tpu.memory_space<vmem>>) dst(%dma_wait3A_10 : memref<51200000xf32, #tpu.memory_space<hbm>>)
    return
  }
}

module attributes {stable_mosaic.version = 14 : i64} {
  func.func @_zero_body(%arg0: i32, %arg1: memref<2048000xf32, #tpu.memory_space<vmem>>) attributes {dimension_semantics = [#tpu.dimension_semantics<arbitrary>], iteration_bounds = array<i64: 25>, scalar_prefetch = 0 : i64, scratch_operands = 0 : i64, tpu.core_type = #tpu.core_type<tc>, window_params = [{transform_indices = @transform_0, window_bounds = array<i64: 2048000>}]} {
    %broadcast_in_dim3A = arith.constant 0.000000e+00 : f32
    %broadcast_in_dim3A_0 = vector.broadcast %broadcast_in_dim3A : f32 to vector<2048000xf32>
    %swap3A = arith.constant 0 : index
    %swap3A_1 = vector.load %arg1[%swap3A] : memref<2048000xf32, #tpu.memory_space<vmem>>, vector<2048000xf32>
    tpu.vector_store %arg1[%swap3A], %broadcast_in_dim3A_0 {strides = array<i32>} : memref<2048000xf32, #tpu.memory_space<vmem>>, vector<2048000xf32>,
    return
  }
  func.func @transform_0(%arg0: i32) -> i32 {
    %c0_i32 = arith.constant 0 : i32
    return %arg0 : i32
  }
}

</mosaic_0001>

<sc_bundles>
// kernel: kernel.4.cloned.1.call-start
scs
__scs_entry_jumppad:
0x0: {  	(pc) =	sbr.rel $0x88, $3  }
0x1: {  	(tag) =	ssettag $0x0;
	lr =	simm.s32 $0x1  }
0x2: {  	[smem:$0x3FA0] =	sst lr;
	_ =	strace $0xD0000000  }
0x3: {  	_ = 	snop  }
0x4: {  	_ = 	snop  }
0x5: {  	_ = 	snop  }
0x6: {  	_ = 	snop  }
0x7: {  	_ = 	snop  }
__scs_overlays_trampoline_lowered:
0x8: {  	[smem:$0x3FAF] =	sst s0  }
0x9: {  	[smem:$0x3FB0] =	sst s1  }
0xa: {  	[smem:$0x3FB1] =	sst s2  }
0xb: {  	[smem:$0x3FB2] =	sst s3  }
0xc: {  	[smem:$0x3FB3] =	sst s4  }
0xd: {  	[smem:$0x3FB4] =	sst s5  }
0xe: {  	[smem:$0x3FB5] =	sst s6  }
0xf: {  	[smem:$0x3FB6] =	sst s7  }
0x10: {  	[smem:$0x3FB7] =	sst s8  }
0x11: {  	[smem:$0x3FB8] =	sst s9;
	s0 =	simm.s32 @!p0 $0x0  }
0x12: {  	s1 =	sld [smem:$0x3F9E];
	s0 =	simm.s32 @p0 $0x1  }
0x13: {  	[smem:$0x3FB9] =	sst s0;
	s0 =	simm.s32 @!p1 $0x0  }
0x14: {  	s2 =	sld [smem:$0x3F9D];
	s0 =	simm.s32 @p1 $0x1  }
0x15: {  	[smem:$0x3FBA] =	sst s0;
	s0 =	simm.s32 @!p2 $0x0  }
0x16: {  	s3 =	sld [smem:$0x3FDB];
	s0 =	simm.s32 @p2 $0x1  }
0x17: {  	s4 =	simm.s32 $0x1BF5;
	[smem:$0x3FBC] =	sst s0  }
0x18: {  	s0 =	sld [smem:$0x3F9F];
	_ =	swait.ge [sflag:s4], $0x0  }
0x19: {  	s7 =	sld [smem:$0x3FA0]  }
0x1a: {  	s8 =	sadd.s32 $0xFFFFE003, lr  }
0x1b: {  	s9 =	sadd.s32 $0xFFFFFEF7, lr;
	s5 =	simm.s32 $0xFFFFFFFF;
	p2 =	slt.u32 s8, $0xFFFFF086  }
0x1c: {  	p1 =	slt.u32 s9, $0xF7A;
	s5 =	simm.s32 @!p2 $0x0  }
0x1d: {  	s5 =	simm.s32 @p1 $0x1;
	p0 =	seq.s32 s7, s2  }
0x1e: {  	s7 =	smul.u32 @!p0 $0xF7A, s2;
	p2 =	seq.s32 @!p0 s5, $0x0  }
0x1f: {  	s9 =	smul.u32 $0xF7A, s1;
	s8 =	simm.s32 @!p0 $0x1BF5;
	p2 =	por !p2, p0  }
0x20: {  	[sflag:s8] =	ssyncset.s32 @!p0 $0xFFFFF086;
	s6 =	sadd.s32 @!p0 s3, s7;
	s7 =	simm.s32 @!p0 $0x108  }
0x21: {  	s3 =	sadd.s32 s3, s9;
	s6 =	sadd.s32 @!p0 $0x88, s6;
	s7 =	simm.s32 @p2 $0x1082  }
0x22: {  	[simem:s7], [sflag:s8] =	dma.local @!p0 [hbm:s6], $0xF7A  }
0x23: {  	s9 =	sor.u32 $0xD0000000, s2;
	s6 =	simm.s32 $0x108;
	_ =	swait.ge @!p0 [sflag:s8], $0x0  }
0x24: {  	s3 =	sadd.s32 $0x88, s3;
	s6 =	simm.s32 @!p1 $0x1082;
	[sflag:s4] =	ssyncset.s32 $0xFFFFF086  }
0x25: {  	[simem:s6], [sflag:s4] =	dma.local [hbm:s3], $0xF7A  }
0x26: {  	[smem:$0x3FA0] =	sst s1;
	(tag) =	ssettag s2;
	_ =	strace s9  }
0x27: {  	s1 =	sld [smem:$0x3FB0]  }
0x28: {  	s2 =	sld [smem:$0x3FB1]  }
0x29: {  	s4 =	sld [smem:$0x3FB3]  }
0x2a: {  	p0 =	seq.s32 s5, $0x0;
	s5 =	sld [smem:$0x3FB4]  }
0x2b: {  	s6 =	sld [smem:$0x3FB5]  }
0x2c: {  	s7 =	sld [smem:$0x3FB6]  }
0x2d: {  	s3 =	simm.s32 $0x108;
	s8 =	sld [smem:$0x3FB7]  }
0x2e: {  	s3 =	simm.s32 @!p0 $0x1082;
	s9 =	sld [smem:$0x3FB8]  }
0x2f: {  	lr =	sadd.s32 s0, s3;
	s0 =	sld [smem:$0x3FAF]  }
0x30: {  	s3 =	sld [smem:$0x3FB2]  }
0x31: {  	[smem:$0x3FBB] =	sst s10  }
0x32: {  	s10 =	sld [smem:$0x3FB9];
	_ =	sdelay $0x3  }
0x33: {  	p0 =	seq.s32 s10, $0x1;
	s10 =	sld [smem:$0x3FBB];
	_ =	sdelay $0x3  }
0x34: {  	[smem:$0x3FBB] =	sst s10  }
0x35: {  	s10 =	sld [smem:$0x3FBA];
	_ =	sdelay $0x3  }
0x36: {  	p1 =	seq.s32 s10, $0x1;
	s10 =	sld [smem:$0x3FBB];
	_ =	sdelay $0x3  }
0x37: {  	[smem:$0x3FBB] =	sst s10  }
0x38: {  	s10 =	sld [smem:$0x3FBC]  }
0x39: {  	_ = 	snop;
	(pc) =	sbr.ind lr, $3  }
0x3a: {  	_ = 	snop  }
0x3b: {  	_ = 	snop  }
0x3c: {  	p2 =	seq.s32 s10, $0x1;
	s10 =	sld [smem:$0x3FBB]  }
0x3d: {  	_ =	shalt  }
0x3e: {  	_ =	shalt  }
0x3f: {  	_ =	shalt  }
0x40: {  	_ =	shalt  }
0x41: {  	_ =	shalt  }
0x42: {  	_ =	shalt  }
0x43: {  	_ =	shalt  }
0x44: {  	_ =	shalt  }
0x45: {  	_ =	shalt  }
0x46: {  	_ =	shalt  }
0x47: {  	_ =	shalt  }
0x48: {  	_ =	shalt  }
0x49: {  	_ =	shalt  }
0x4a: {  	_ =	shalt  }
0x4b: {  	_ =	shalt  }
0x4c: {  	_ =	shalt  }
0x4d: {  	_ =	shalt  }
0x4e: {  	_ =	shalt  }
0x4f: {  	_ =	shalt  }
0x50: {  	_ =	shalt  }
0x51: {  	_ =	shalt  }
0x52: {  	_ =	shalt  }
0x53: {  	_ =	shalt  }
0x54: {  	_ =	shalt  }
0x55: {  	_ =	shalt  }
0x56: {  	_ =	shalt  }
0x57: {  	_ =	shalt  }
0x58: {  	_ =	shalt  }
0x59: {  	_ =	shalt  }
0x5a: {  	_ =	shalt  }
0x5b: {  	_ =	shalt  }
0x5c: {  	_ =	shalt  }
0x5d: {  	_ =	shalt  }
0x5e: {  	_ =	shalt  }
0x5f: {  	_ =	shalt  }
0x60: {  	_ =	shalt  }
0x61: {  	_ =	shalt  }
0x62: {  	_ =	shalt  }
0x63: {  	_ =	shalt  }
0x64: {  	_ =	shalt  }
0x65: {  	_ =	shalt  }
0x66: {  	_ =	shalt  }
0x67: {  	_ =	shalt  }
0x68: {  	_ =	shalt  }
0x69: {  	_ =	shalt  }
0x6a: {  	_ =	shalt  }
0x6b: {  	_ =	shalt  }
0x6c: {  	_ =	shalt  }
0x6d: {  	_ =	shalt  }
0x6e: {  	_ =	shalt  }
0x6f: {  	_ =	shalt  }
0x70: {  	_ =	shalt  }
0x71: {  	_ =	shalt  }
0x72: {  	_ =	shalt  }
0x73: {  	_ =	shalt  }
0x74: {  	_ =	shalt  }
0x75: {  	_ =	shalt  }
0x76: {  	_ =	shalt  }
0x77: {  	_ =	shalt  }
0x78: {  	_ =	shalt  }
0x79: {  	_ =	shalt  }
0x7a: {  	_ =	shalt  }
0x7b: {  	_ =	shalt  }
0x7c: {  	_ =	shalt  }
0x7d: {  	_ =	shalt  }
0x7e: {  	_ =	shalt  }
0x7f: {  	_ =	shalt  }
0x80: {  	_ =	shalt  }
0x81: {  	_ =	shalt  }
0x82: {  	_ =	shalt  }
0x83: {  	_ =	shalt  }
0x84: {  	_ =	shalt  }
0x85: {  	_ =	shalt  }
0x86: {  	_ =	shalt  }
0x87: {  	_ =	shalt  }
.Lfunc_end0:
.L_simem_size_0:
called_computation_lowered:
.L_overlay_start_0:
0x88: {  	s2 =	sld [smem:$0x3FD9]  }
0x89: {  	s3 =	sld [smem:$0x3FFE];
	_ =	sdelay $0x1  }
0x8a: {  	s1 =	srdreg.scid  }
0x8b: {  	s0 =	sand.u32 $0x1, s1  }
0x8c: {  	s17 =	sshll.u32 s0, $0xA;
	s2 =	sadd.s32 s3, s2  }
0x8d: {  	s2 =	sadd.s32 s2, s17  }
0x8e: {  	[smem:$0x3FC7] =	sst s2  }
0x8f: {  	_ = 	snop  }
0x90: {  	s2 =	sld [smem:$0x3FD0];
	(tm) =	ssettm $0x1  }
0x91: {  	s18 =	sld [smem:$0x3FFB];
	_ =	sdelay $0x3  }
0x92: {  	_ =	strace s18  }
0x93: {  	s3 =	sld [smem:$0x3FFC];
	_ =	sdelay $0x3  }
0x94: {  	_ =	strace s3  }
0x95: {  	s3 =	sld [smem:$0x3FFD];
	_ =	sdelay $0x3  }
0x96: {  	_ =	strace s3  }
0x97: {  	_ =	strace $0x8FFFFFFF  }
0x98: {  	s19 =	sld [smem:$0x3FDB];
	_ =	sdelay $0x1  }
0x99: {  	s4 =	simm.s32 $_scs_section_size  }
0x9a: {  	s5 =	simm.s32 $_size__tile_overlayer_lowered;
	s6 =	simm.s32 $_tile_overlayer_lowered  }
0x9b: {  	s22 =	simm.s32 $0x1BFF;
	s21 =	sshll.u32 s6, $0x1;
	s3 =	sadd.s32 s4, s19  }
0x9c: {  	s7 =	simm.s32 $0x0;
	s20 =	sshll.u32 s5, $0x1;
	s5 =	sadd.s32 s21, s3  }
0x9d: {  	[timem:s7], [sflag:s22] =	dma.local [hbm:s5], s20  }
0x9e: {  	_ =	swait.ge [sflag:s22], s20  }
0x9f: {  	s4 =	ssub.s32 $0x0, s20;
	[sflag:s22] =	ssyncset.done $0x0  }
0xa0: {  	[sflag:s22] =	ssyncadd.s32 s4;
	_ =	sdelay $0x1  }
0xa1: {  	s23 =	simm.s32 $0x1B8B  }
0xa2: {  	_ =	swait.ge [sflag:s23], $0x1  }
0xa3: {  	[sflag:s23] =	ssyncset.done $0x0  }
0xa4: {  	s25 =	simm.s32 $0x1B8E;
	s24 =	sld [smem:$0x3FFE];
	[sflag:s23] =	ssyncadd.s32 $0xFFFFFFFF  }
0xa5: {  	s26 =	simm.s32 $execute0_lowered;
	[smem:$0x3FD2] =	sst s25  }
0xa6: {  	s5 =	sshll.u32 s26, $0x1;
	_ =	strace $0x80000046;
	[dreg:$0x1] =	wrdreg $0xFFFFFFFF  }
0xa7: {  	s28 =	simm.s32 $_size_execute0_lowered;
	s3 =	sadd.s32 s3, s5;
	[dreg:$0x0] =	wrdreg $0x0  }
0xa8: {  	s5 =	sshll.u32 s28, $0x1;
	[dreg:$0x2] =	wrdreg s3  }
0xa9: {  	[dreg:$0x3] =	wrdreg s5  }
0xaa: {  	[dreg:$0x4] =	wrdreg $0xC0  }
0xab: {  	_ =	task [dreg:s7], $0x5FFFF  }
0xac: {  	[dreg:$0x1] =	wrdreg $0xFFFFFFFF  }
0xad: {  	[dreg:$0x0] =	wrdreg $0x60  }
0xae: {  	[dreg:$0x2] =	wrdreg s24  }
0xaf: {  	[dreg:$0x3] =	wrdreg s2  }
0xb0: {  	[dreg:$0x4] =	wrdreg $0x9  }
0xb1: {  	_ =	task.clear_ibuf [dreg:s7], $0x5FFFF;
	_ =	strace $0x90000046  }
0xb2: {  	s29 =	simm.s32 $0x9;
	_ =	strace $0x80000048  }
0xb3: {  	_ =	swait.ge [sflag:s29], $0x1  }
0xb4: {  	[sflag:s29] =	ssyncadd.s32 $0xFFFFFFFF  }
0xb5: {  	_ =	strace $0x90000048  }
0xb6: {  	_ =	sfence  }
0xb7: {  	s30 =	sld [smem:$0x0];
	_ =	sdelay $0x2  }
0xb8: {  	s31 =	sshll.u32 s1, $0xD;
	s1 =	sshrl.u32 s1, $0x2  }
0xb9: {  	s3 =	sand.u32 $0x4000, s31;
	s1 =	sadd.s32 s1, s30  }
0xba: {  	s0 =	sor.u32 s3, s0;
	s1 =	sshll.u32 s1, $0x11  }
0xbb: {  	s0 =	sor.u32 s1, s0  }
0xbc: {  	s0 =	sadd.s32 $0x8F2B, s0  }
0xbd: {  	[sflag:s0] =	ssyncadd.remote.s32 $0x1  }
0xbe: {  	_ =	sfence.sel $0xFFFF  }
0xbf: {  	[dreg:$0x0] =	wrdreg $0xFFFFFFFF;
	(pc) =	sbr.abs _section_cstart, $3  }
0xc0: {  	[dreg:$0x1] =	wrdreg $0xFFFFFFFF  }
0xc1: {  	_ =	task.clear_ibuf [dreg:s7], $0x2FFFF;
	_ =	strace $0x9FFFFFFF  }
0xc2: {  	(tm) =	ssettm $0x7FFFFFFF  }
0xc3: {  	_ =	shalt  }
tec
execute0_lowered:
.L_overlay_start_1:
0x0: {  	(tag) =	ssettag $0x1  }
0x1: {  	s4 =	rddreg [dreg:$0x0]  }
0x2: {  	s1 =	rddreg [dreg:$0x1];
	s2 =	srdreg.scid  }
0x3: {  	s0 =	rddreg [dreg:$0x2];
	s3 =	simm.s32 $0x0;
	s10 =	simm.s32 $0x1  }
0x4: {  	s11 =	simm.s32 $0x0;
	s5 =	sand.u32 $0x1, s2;
	[smem:$0x7FF] =	sst s3  }
0x5: {  	s2 =	stileid.u32;
	s6 =	ssub.s32 $0x2, s5;
	_ =	strace $0x80000047  }
0x6: {  	s7 =	sshll.u32 s2, $0xA;
	s9 =	smul.u32 $0x19, s5;
	s31 =	sshll.u32 s2, $0x6  }
0x7: {  	s8 =	sshrl.u32 s6, $0x1;
	s4 =	sadd.s32 s7, s4;
	s7 =	simm.s32 $0x640  }
0x8: {  	v2 =	vlaneseq.u32;
	s6 =	ssub.s32 s6, s8;
	s4 =	sadd.s32 $0x600, s4;
	s8 =	simm.s32 $0x2000  }
0x9: {  	v3 =	vimm.f32 $1.000000000e+00;
	v0 =	vmov s31;
	v1 =	vmov s9;
	s9 =	simm.s32 $0x2680;
	s5 =	smax.u32 s6, $0x1;
	s6 =	simm.s32 $0x2  }
.LBB2_1:
0xa: {  	v4 =	vor.u32 s3, v2  }
0xb: {  	v5 =	vmul.u32 $0x147B, v4;
	_ =	sdelay $0x1  }
0xc: {  	v5 =	vshrl.u32 v5, $0x11  }
0xd: {  	v6 =	vmul.u32 $0xFFFFFFE7, v5  }
0xe: {  	v4 =	vadd.s32 v1, v4  }
0xf: {  	v4 =	vadd.s32 v6, v4  }
0x10: {  	v7 =	vshll.u32 v5, $0x7;
	v6 =	vand.u32 $0xFFFFFF80, v4  }
0x11: {  	v8 =	vand.u32 $0x7F, v4;
	v6 =	vadd.s32 v7, v6  }
0x12: {  	s12 =	simm.s32 $0x10;
	v6 =	vor.u32 v8, v6  }
0x13: {  	[tilespmem:s3], [sflag:$0x2] =	stream.linear.gather [hbm4b:s4+s3], $0x2000, $0x38;
	[tilespmem:$0x2D00] =	vst v63  }
0x14: {  	_ =	swait.ge [sflag:s6], $0x2000;
	v7 =	vor.u32 s12, v2  }
0x15: {  	[sflag:s6] =	ssyncset.done $0x0;
	v8 =	vmul.u32 $0x147B, v7  }
0x16: {  	[sflag:s6] =	ssyncadd.s32 $0xFFFFE000  }
0x17: {  	v5 =	vadd.s32 v0, v5;
	v8 =	vshrl.u32 v8, $0x11;
	v6 =	vld.idx.msk [tilespmem:v6+s3+$0x0], $0xffff  }
0x18: {  	v10 =	vshll.u32 v5, $0x3;
	v9 =	vmul.u32 $0xFFFFFFE7, v8  }
0x19: {  	v5 =	vand.u32 $0x7F, v5;
	v4 =	vmul.u32 $0xFA000, v4;
	v7 =	vadd.s32 v1, v7  }
0x1a: {  	v11 =	vshll.u32 v8, $0x7;
	v7 =	vadd.s32 v9, v7;
	v9 =	vand.u32 $0x3FC00, v10  }
0x1b: {  	v10 =	vand.u32 $0xFFFFFF80, v7;
	v5 =	vor.u32 v5, v9;
	v9 =	vand.u32 $0x7F, v7  }
0x1c: {  	v4 =	vadd.s32 v4, v5;
	v5 =	vadd.s32 v11, v10;
	v12 =	vshll.u32 v6, $0xA  }
0x1d: {  	v5 =	vor.u32 v9, v5;
	v6 =	vshll.u32 v6, $0x7;
	v10 =	vand.u32 $0xFFFFE000, v12  }
0x1e: {  	s31 =	simm.s32 $0x20;
	v6 =	vand.u32 $0x380, v6;
	v4 =	vadd.s32 v10, v4  }
0x1f: {  	s12 =	simm.s32 $0x2020;
	v9 =	vor.u32 s31, v2;
	v4 =	vor.u32 v6, v4  }
0x20: {  	s13 =	simm.s32 $0x26A0;
	v6 =	vmul.u32 $0x147B, v9;
	[tilespmem:s12+$0xFFFFFFE0] =	vst v4  }
0x21: {  	[tilespmem:s13+$0xFFFFFFE0] =	vst v3  }
0x22: {  	v4 =	vshrl.u32 v6, $0x11;
	v5 =	vld.idx.msk [tilespmem:v5+s3+$0x0], $0xffff  }
0x23: {  	v8 =	vadd.s32 v0, v8;
	v7 =	vmul.u32 $0xFA000, v7;
	v6 =	vmul.u32 $0xFFFFFFE7, v4  }
0x24: {  	v10 =	vshll.u32 v8, $0x3;
	v8 =	vand.u32 $0x7F, v8;
	v9 =	vadd.s32 v1, v9  }
0x25: {  	v11 =	vshll.u32 v4, $0x7;
	v6 =	vadd.s32 v6, v9;
	v9 =	vand.u32 $0x3FC00, v10  }
0x26: {  	v10 =	vand.u32 $0xFFFFFF80, v6;
	v8 =	vor.u32 v8, v9;
	v9 =	vand.u32 $0x7F, v6  }
0x27: {  	v10 =	vadd.s32 v11, v10;
	v7 =	vadd.s32 v7, v8;
	v11 =	vshll.u32 v5, $0xA  }
0x28: {  	v5 =	vshll.u32 v5, $0x7;
	v9 =	vor.u32 v9, v10;
	v10 =	vand.u32 $0xFFFFE000, v11  }
0x29: {  	s14 =	simm.s32 $0x30;
	v5 =	vand.u32 $0x380, v5;
	v7 =	vadd.s32 v10, v7  }
0x2a: {  	v8 =	vor.u32 s14, v2;
	v5 =	vor.u32 v5, v7  }
0x2b: {  	v7 =	vmul.u32 $0x147B, v8;
	[tilespmem:s12+$0xFFFFFFF0] =	vst v5  }
0x2c: {  	[tilespmem:s13+$0xFFFFFFF0] =	vst v3  }
0x2d: {  	v4 =	vadd.s32 v0, v4;
	v5 =	vshrl.u32 v7, $0x11;
	v7 =	vld.idx.msk [tilespmem:v9+s3+$0x0], $0xffff  }
0x2e: {  	v6 =	vmul.u32 $0xFA000, v6;
	v10 =	vshll.u32 v4, $0x3;
	v9 =	vmul.u32 $0xFFFFFFE7, v5  }
0x2f: {  	v4 =	vand.u32 $0x7F, v4;
	v8 =	vadd.s32 v1, v8;
	v10 =	vand.u32 $0x3FC00, v10  }
0x30: {  	v4 =	vor.u32 v4, v10;
	v8 =	vadd.s32 v9, v8  }
0x31: {  	v4 =	vadd.s32 v6, v4;
	v11 =	vshll.u32 v5, $0x7;
	v9 =	vand.u32 $0xFFFFFF80, v8  }
0x32: {  	v10 =	vand.u32 $0x7F, v8;
	v9 =	vadd.s32 v11, v9;
	v11 =	vshll.u32 v7, $0xA  }
0x33: {  	v7 =	vshll.u32 v7, $0x7;
	v9 =	vor.u32 v10, v9;
	v10 =	vand.u32 $0xFFFFE000, v11  }
0x34: {  	s14 =	simm.s32 $0x40;
	v6 =	vand.u32 $0x380, v7;
	v4 =	vadd.s32 v10, v4  }
0x35: {  	v7 =	vor.u32 s14, v2;
	v4 =	vor.u32 v6, v4  }
0x36: {  	v6 =	vmul.u32 $0x147B, v7;
	[tilespmem:s12+$0x0] =	vst v4  }
0x37: {  	[tilespmem:s13+$0x0] =	vst v3  }
0x38: {  	v10 =	vadd.s32 v0, v5;
	v11 =	vshrl.u32 v6, $0x11;
	v9 =	vld.idx.msk [tilespmem:v9+s3+$0x0], $0xffff  }
0x39: {  	v4 =	vshll.u32 v10, $0x3;
	v6 =	vmul.u32 $0xFFFFFFE7, v11  }
0x3a: {  	v8 =	vmul.u32 $0xFA000, v8;
	v7 =	vadd.s32 v1, v7;
	v62 =	vand.u32 $0x3FC00, v4  }
0x3b: {  	v4 =	vadd.s32 v0, v11;
	v6 =	vadd.s32 v6, v7;
	v7 =	vand.u32 $0x7F, v10  }
0x3c: {  	v11 =	vshll.u32 v11, $0x7;
	v10 =	vand.u32 $0xFFFFFF80, v6;
	v7 =	vor.u32 v7, v62  }
0x3d: {  	v63 =	vand.u32 $0x7F, v6;
	v7 =	vadd.s32 v8, v7;
	v13 =	vshll.u32 v9, $0xA  }
0x3e: {  	v10 =	vadd.s32 v11, v10;
	v8 =	vshll.u32 v9, $0x7;
	v9 =	vand.u32 $0xFFFFE000, v13  }
0x3f: {  	v9 =	vadd.s32 v9, v7;
	v7 =	vor.u32 v63, v10  }
0x40: {  	s16 =	simm.s32 $0x50;
	v11 =	vand.u32 $0x380, v8  }
0x41: {  	s15 =	simm.s32 $0x4;
	v5 =	vshll.u32 v4, $0x3;
	v8 =	vor.u32 s16, v2;
	s16 =	simm.s32 $0x26A0;
	v9 =	vor.u32 v11, v9  }
.LBB2_2:
0x42: {  	s15 =	sadd.s32 $0x4, s15;
	v10 =	vmul.u32 $0x147B, v8;
	[tilespmem:s12+$0x10] =	vst v9;
	s12 =	sadd.s32 $0x40, s12;
	s13 =	sadd.s32 $0x40, s13  }
0x43: {  	p0 =	slt.u32 s15, $0x60;
	[tilespmem:s16+$0x10] =	vst v3;
	s16 =	smov.u32 s13  }
0x44: {  	v7 =	vld.idx.msk [tilespmem:v7+s3+$0x0], $0xffff;
	v9 =	vshrl.u32 v10, $0x11  }
0x45: {  	v10 =	vmul.u32 $0xFFFFFFE7, v9;
	v11 =	vadd.s32 v0, v9  }
0x46: {  	v8 =	vadd.s32 v1, v8;
	v12 =	vshll.u32 v11, $0x3  }
0x47: {  	v6 =	vmul.u32 $0xFA000, v6;
	v5 =	vand.u32 $0x3FC00, v5;
	v8 =	vadd.s32 v10, v8  }
0x48: {  	v4 =	vand.u32 $0x7F, v4;
	v9 =	vshll.u32 v9, $0x7;
	v10 =	vand.u32 $0xFFFFFF80, v8  }
0x49: {  	v4 =	vor.u32 v4, v5;
	v5 =	vand.u32 $0x7F, v8;
	v8 =	vmul.u32 $0xFA000, v8  }
0x4a: {  	v4 =	vadd.s32 v6, v4;
	v13 =	vshll.u32 v7, $0xA;
	v6 =	vadd.s32 v9, v10  }
0x4b: {  	v7 =	vshll.u32 v7, $0x7;
	v9 =	vand.u32 $0xFFFFE000, v13;
	v5 =	vor.u32 v5, v6  }
0x4c: {  	s17 =	sadd.s32 $0x20, s14;
	v6 =	vand.u32 $0x380, v7;
	v7 =	vand.u32 $0x3FC00, v12;
	v4 =	vadd.s32 v9, v4  }
0x4d: {  	v4 =	vor.u32 v6, v4;
	v6 =	vor.u32 s17, v2  }
0x4e: {  	[tilespmem:s12+$0xFFFFFFE0] =	vst v4;
	v4 =	vmul.u32 $0x147B, v6  }
0x4f: {  	[tilespmem:s13+$0xFFFFFFE0] =	vst v3  }
0x50: {  	v5 =	vld.idx.msk [tilespmem:v5+s3+$0x0], $0xffff;
	v4 =	vshrl.u32 v4, $0x11  }
0x51: {  	v9 =	vmul.u32 $0xFFFFFFE7, v4;
	v10 =	vadd.s32 v0, v4  }
0x52: {  	v6 =	vadd.s32 v1, v6;
	v12 =	vshll.u32 v10, $0x3  }
0x53: {  	v6 =	vadd.s32 v9, v6;
	v9 =	vand.u32 $0x3FC00, v12  }
0x54: {  	v11 =	vand.u32 $0x7F, v11;
	v4 =	vshll.u32 v4, $0x7;
	v12 =	vand.u32 $0xFFFFFF80, v6  }
0x55: {  	v7 =	vor.u32 v11, v7;
	v11 =	vand.u32 $0x7F, v6;
	v4 =	vadd.s32 v4, v12  }
0x56: {  	v12 =	vshll.u32 v5, $0xA;
	v5 =	vshll.u32 v5, $0x7;
	v4 =	vor.u32 v11, v4  }
0x57: {  	v7 =	vadd.s32 v8, v7;
	v11 =	vand.u32 $0xFFFFE000, v12;
	v5 =	vand.u32 $0x380, v5  }
0x58: {  	s17 =	sadd.s32 $0x30, s14;
	v6 =	vmul.u32 $0xFA000, v6;
	v7 =	vadd.s32 v11, v7  }
0x59: {  	v5 =	vor.u32 v5, v7;
	v7 =	vor.u32 s17, v2  }
0x5a: {  	[tilespmem:s12+$0xFFFFFFF0] =	vst v5;
	v5 =	vmul.u32 $0x147B, v7  }
0x5b: {  	[tilespmem:s13+$0xFFFFFFF0] =	vst v3  }
0x5c: {  	v4 =	vld.idx.msk [tilespmem:v4+s3+$0x0], $0xffff;
	v5 =	vshrl.u32 v5, $0x11  }
0x5d: {  	v8 =	vmul.u32 $0xFFFFFFE7, v5;
	v11 =	vadd.s32 v0, v5  }
0x5e: {  	v7 =	vadd.s32 v1, v7;
	v12 =	vshll.u32 v11, $0x3  }
0x5f: {  	v7 =	vadd.s32 v8, v7;
	v8 =	vand.u32 $0x3FC00, v12  }
0x60: {  	v10 =	vand.u32 $0x7F, v10;
	v5 =	vshll.u32 v5, $0x7;
	v12 =	vand.u32 $0xFFFFFF80, v7  }
0x61: {  	v9 =	vor.u32 v10, v9;
	v10 =	vand.u32 $0x7F, v7;
	v5 =	vadd.s32 v5, v12  }
0x62: {  	v12 =	vshll.u32 v4, $0xA;
	v4 =	vshll.u32 v4, $0x7;
	v5 =	vor.u32 v10, v5  }
0x63: {  	v6 =	vadd.s32 v6, v9;
	v10 =	vand.u32 $0xFFFFE000, v12;
	v4 =	vand.u32 $0x380, v4  }
0x64: {  	s14 =	sadd.s32 $0x40, s14;
	v7 =	vmul.u32 $0xFA000, v7;
	v6 =	vadd.s32 v10, v6  }
0x65: {  	v9 =	vor.u32 s14, v2;
	v4 =	vor.u32 v4, v6  }
0x66: {  	v6 =	vmul.u32 $0x147B, v9;
	[tilespmem:s12+$0x0] =	vst v4  }
0x67: {  	[tilespmem:s13+$0x0] =	vst v3  }
0x68: {  	v10 =	vshrl.u32 v6, $0x11;
	v12 =	vld.idx.msk [tilespmem:v5+s3+$0x0], $0xffff  }
0x69: {  	v6 =	vmul.u32 $0xFFFFFFE7, v10;
	v4 =	vadd.s32 v0, v10  }
0x6a: {  	v9 =	vadd.s32 v1, v9;
	v5 =	vshll.u32 v4, $0x3  }
0x6b: {  	v6 =	vadd.s32 v6, v9;
	v9 =	vand.u32 $0x7F, v11  }
0x6c: {  	v10 =	vshll.u32 v10, $0x7;
	v11 =	vand.u32 $0xFFFFFF80, v6;
	v8 =	vor.u32 v9, v8  }
.Ltmp0:
0x6d: {  	v9 =	vand.u32 $0x7F, v6;
	v10 =	vadd.s32 v10, v11;
	v8 =	vadd.s32 v7, v8;
	(pc) =	sbr.rel @p0 .LBB2_2-.Ltmp0, $4  }
0x6e: {  	v7 =	vor.u32 v9, v10;
	v9 =	vshll.u32 v12, $0xA;
	v10 =	vshll.u32 v12, $0x7  }
0x6f: {  	v9 =	vand.u32 $0xFFFFE000, v9;
	v10 =	vand.u32 $0x380, v10  }
0x70: {  	s17 =	sadd.s32 $0x10, s14;
	v9 =	vadd.s32 v9, v8  }
0x71: {  	v8 =	vor.u32 s17, v2;
	v9 =	vor.u32 v10, v9  }
0x72: {  	_ =	sdelay $0x1  }
0x73: {  	v10 =	vmul.u32 $0x147B, v8;
	[tilespmem:s12+$0x10] =	vst v9  }
0x74: {  	[tilespmem:s16+$0x10] =	vst v3  }
0x75: {  	v37 =	vshrl.u32 v10, $0x11;
	v7 =	vld.idx.msk [tilespmem:v7+s3+$0x0], $0xffff  }
0x76: {  	v38 =	vadd.s32 v1, v8;
	v10 =	vmul.u32 $0xFFFFFFE7, v37  }
0x77: {  	v6 =	vmul.u32 $0xFA000, v6;
	v5 =	vand.u32 $0x3FC00, v5;
	v4 =	vand.u32 $0x7F, v4  }
0x78: {  	v4 =	vor.u32 v4, v5;
	v8 =	vadd.s32 v10, v38  }
0x79: {  	v4 =	vadd.s32 v6, v4;
	v11 =	vshll.u32 v37, $0x7;
	v10 =	vand.u32 $0xFFFFFF80, v8  }
0x7a: {  	v5 =	vand.u32 $0x7F, v8;
	v12 =	vshll.u32 v7, $0xA;
	v39 =	vadd.s32 v11, v10  }
0x7b: {  	v7 =	vshll.u32 v7, $0x7;
	v40 =	vand.u32 $0xFFFFE000, v12;
	v5 =	vor.u32 v5, v39  }
0x7c: {  	s15 =	sadd.s32 $0x20, s14;
	v41 =	vand.u32 $0x380, v7;
	v4 =	vadd.s32 v40, v4  }
0x7d: {  	s30 =	sadd.s32 $0x40, s12;
	v42 =	vor.u32 s15, v2;
	v4 =	vor.u32 v41, v4  }
0x7e: {  	s13 =	sadd.s32 $0x40, s13;
	v43 =	vmul.u32 $0x147B, v42;
	[tilespmem:s30+$0xFFFFFFE0] =	vst v4  }
0x7f: {  	[tilespmem:s13+$0xFFFFFFE0] =	vst v3  }
0x80: {  	v9 =	vadd.s32 v0, v37;
	v4 =	vshrl.u32 v43, $0x11;
	v5 =	vld.idx.msk [tilespmem:v5+s3+$0x0], $0xffff  }
0x81: {  	v44 =	vshll.u32 v9, $0x3;
	v6 =	vmul.u32 $0xFFFFFFE7, v4  }
0x82: {  	v9 =	vand.u32 $0x7F, v9;
	v45 =	vand.u32 $0x3FC00, v44;
	v7 =	vadd.s32 v1, v42  }
0x83: {  	v8 =	vmul.u32 $0xFA000, v8;
	v47 =	vshll.u32 v4, $0x7;
	v6 =	vadd.s32 v6, v7  }
0x84: {  	v7 =	vor.u32 v9, v45;
	v46 =	vand.u32 $0xFFFFFF80, v6;
	v48 =	vand.u32 $0x7F, v6  }
0x85: {  	v7 =	vadd.s32 v8, v7;
	v10 =	vadd.s32 v47, v46;
	v49 =	vshll.u32 v5, $0xA  }
0x86: {  	v9 =	vor.u32 v48, v10;
	v5 =	vshll.u32 v5, $0x7;
	v50 =	vand.u32 $0xFFFFE000, v49  }
0x87: {  	s31 =	sadd.s32 $0x30, s14;
	v5 =	vand.u32 $0x380, v5;
	v7 =	vadd.s32 v50, v7  }
0x88: {  	v51 =	vor.u32 s31, v2;
	v5 =	vor.u32 v5, v7  }
0x89: {  	v52 =	vmul.u32 $0x147B, v51;
	[tilespmem:s30+$0xFFFFFFF0] =	vst v5  }
0x8a: {  	[tilespmem:s13+$0xFFFFFFF0] =	vst v3  }
0x8b: {  	v4 =	vadd.s32 v0, v4;
	v5 =	vshrl.u32 v52, $0x11;
	v53 =	vld.idx.msk [tilespmem:v9+s3+$0x0], $0xffff  }
0x8c: {  	v55 =	vshll.u32 v4, $0x3;
	v4 =	vand.u32 $0x7F, v4;
	v54 =	vmul.u32 $0xFFFFFFE7, v5  }
0x8d: {  	v8 =	vadd.s32 v1, v51;
	v6 =	vmul.u32 $0xFA000, v6;
	v10 =	vand.u32 $0x3FC00, v55  }
0x8e: {  	v4 =	vor.u32 v4, v10;
	v8 =	vadd.s32 v54, v8  }
0x8f: {  	v4 =	vadd.s32 v6, v4;
	v56 =	vshll.u32 v5, $0x7;
	v9 =	vand.u32 $0xFFFFFF80, v8  }
0x90: {  	v57 =	vand.u32 $0x7F, v8;
	v9 =	vadd.s32 v56, v9;
	v58 =	vshll.u32 v53, $0xA  }
0x91: {  	v9 =	vor.u32 v57, v9;
	v7 =	vshll.u32 v53, $0x7;
	v59 =	vand.u32 $0xFFFFE000, v58  }
0x92: {  	v60 =	vand.u32 $0x380, v7;
	v4 =	vadd.s32 v59, v4  }
0x93: {  	v4 =	vor.u32 v60, v4  }
0x94: {  	[tilespmem:s30+$0x0] =	vst v4  }
0x95: {  	[tilespmem:s13+$0x0] =	vst v3  }
0x96: {  	v4 =	vld.idx.msk [tilespmem:v9+s3+$0x0], $0xffff;
	_ =	sdelay $0x1  }
0x97: {  	v5 =	vadd.s32 v0, v5  }
0x98: {  	v61 =	vshll.u32 v5, $0x3  }
0x99: {  	v5 =	vand.u32 $0x7F, v5;
	v6 =	vand.u32 $0x3FC00, v61;
	v62 =	vmul.u32 $0xFA000, v8  }
0x9a: {  	v5 =	vor.u32 v5, v6;
	v63 =	vshll.u32 v4, $0xA  }
0x9b: {  	v5 =	vadd.s32 v62, v5;
	v4 =	vshll.u32 v4, $0x7;
	v6 =	vand.u32 $0xFFFFE000, v63  }
0x9c: {  	v4 =	vand.u32 $0x380, v4;
	v5 =	vadd.s32 v6, v5  }
0x9d: {  	s11 =	sadd.s32 $0x1, s11;
	v4 =	vor.u32 v4, v5  }
0x9e: {  	p0 =	sne.s32 s11, s5;
	[tilespmem:s30+$0x10] =	vst v4  }
.Ltmp1:
0x9f: {  	[tilespmem:s13+$0x10] =	vst v3;
	(pc) =	sbr.rel @p0 .LBB2_1-.Ltmp1, $4  }
0xa0: {  	[hbm4b:s1+s7] =	stream.indirect.scatter [tilespmem:s9], [sflag:$0x1], $0x1, s8, s7, $0xb8;
	[tilespmem:$0x2D00] =	vst v63  }
0xa1: {  	_ =	swait.ge [sflag:s10], $0x640  }
0xa2: {  	[sflag:s10] =	ssyncset.done $0x0  }
0xa3: {  	[sflag:s10] =	ssyncadd.s32 $0xFFFFF9C0  }
0xa4: {  	_ =	sfence.sel $0x180000  }
0xa5: {  	[bflag:$0x0] =	sbarrier.arrive $0xFFFF  }
0xa6: {  	p0 =	sne.s32 s2, $0x0;
	_ =	strace $0x90000047  }
0xa7: {  	s0 =	sadd.s32 @!p0 $0x100000, s0;
	[bflag:$0x2] =	sbarrier.arrive $0xFFFF  }
0xa8: {  	[sflag:s0] =	ssyncadd.tile.s32 @!p0 $0x1;
	_ =	shalt  }
.Lfunc_end2:
_tile_overlayer_lowered:
.L_overlay_start_2:
0xa9: {  	(tag) =	ssettag $0x2  }
0xaa: {  	s0 =	rddreg [dreg:$0x0];
	s2 =	stileid.u32  }
0xab: {  	s1 =	rddreg [dreg:$0x1];
	p0 =	sne.s32 s2, $0x0  }
0xac: {  	s3 =	rddreg [dreg:$0x2];
	[bflag:$0x3] =	sbarrier.arrive $0xFFFF;
	s2 =	simm.s32 @!p0 $0x1C02  }
0xad: {  	[timem:s3], [sflag:s2] =	dma.local @!p0 [hbm:s0], s1  }
0xae: {  	s0 =	simm.s32 @!p0 $0x2  }
0xaf: {  	_ =	swait.ge @!p0 [sflag:s0], s1  }
0xb0: {  	s1 =	ssub.s32 @!p0 $0x0, s1;
	[sflag:s0] =	ssyncset.done @!p0 $0x0  }
0xb1: {  	[sflag:s0] =	ssyncadd.s32 @!p0 s1  }
0xb2: {  	[bflag:$0x3] =	sbarrier.arrive $0xFFFF  }
0xb3: {  	_ =	shalt  }

</sc_bundles>
